<compile_context>
chip_gen: v7x
topology: tpu7x:2x2x1
jax: 0.10.2.dev20260603
libtpu: 0.0.44.dev20260713+nightly
codegen_flags: <defaults>
</compile_context>

<pallas_src>
import functools

import jax
import jax.numpy as jnp
from jax import lax
from jax.experimental import pallas as pl
from jax.experimental.pallas import tpu as pltpu
from jax.experimental.pallas import tpu_sc as plsc

N_NODES = 10000
N_EDGES = 320000
D = 128

NC = 2
NS = 16
CHUNK = 128

NT = NC * NS
EDGES_PAD = ((N_EDGES + NT * CHUNK - 1) // (NT * CHUNK)) * (NT * CHUNK)
EDGES_PER_TILE = EDGES_PAD // NT
CHUNKS_PER_TILE = EDGES_PER_TILE // CHUNK

ACC_ROWS = 10240
ZERO_PER_TILE = ACC_ROWS // NS
WRITE_PER_TILE = (N_NODES // NS) // 8 * 8
WRITE_TAIL = N_NODES - NS * WRITE_PER_TILE


def _linear_body(feat_ref, w_ref, b_ref, out_ref):
    h = lax.dot_general(
        feat_ref[...], w_ref[...],
        dimension_numbers=(((1,), (1,)), ((), ())),
        preferred_element_type=jnp.float32,
    )
    out_ref[...] = h + b_ref[...]


def _linear(feat, W, b):
    rb = 1000
    return pl.pallas_call(
        _linear_body,
        grid=(N_NODES // rb,),
        in_specs=[
            pl.BlockSpec((rb, D), lambda i: (i, 0)),
            pl.BlockSpec((D, D), lambda i: (0, 0)),
            pl.BlockSpec((1, D), lambda i: (0, 0)),
        ],
        out_specs=pl.BlockSpec((rb, D), lambda i: (i, 0)),
        out_shape=jax.ShapeDtypeStruct((N_NODES, D), jnp.float32),
    )(feat, W, b.reshape(1, D))


def _mp_body(h, zeros, src, dst, out, src_v, dst_v, rows_v, acc, sem, semS):
    c = lax.axis_index("c")
    s = lax.axis_index("s")

    z0 = s * ZERO_PER_TILE
    pltpu.sync_copy(zeros.at[pl.ds(z0, ZERO_PER_TILE)],
                    acc.at[pl.ds(z0, ZERO_PER_TILE)])
    plsc.subcore_barrier()

    base0 = (c * NS + s) * EDGES_PER_TILE

    pltpu.sync_copy(dst.at[pl.ds(base0, CHUNK)], dst_v)
    pltpu.sync_copy(zeros.at[pl.ds(0, CHUNK)], rows_v)
    pltpu.async_copy(rows_v, acc.at[dst_v], semS, add=True)

    @pl.loop(0, CHUNKS_PER_TILE)
    def _(g):
        base = base0 + g * CHUNK
        pltpu.sync_copy(src.at[pl.ds(base, CHUNK)], src_v)
        pltpu.make_async_copy(rows_v, acc.at[dst_v], semS).wait()
        cp = pltpu.async_copy(h.at[src_v], rows_v, sem)
        pltpu.sync_copy(dst.at[pl.ds(base, CHUNK)], dst_v)
        cp.wait()
        pltpu.async_copy(rows_v, acc.at[dst_v], semS, add=True)

    pltpu.make_async_copy(rows_v, acc.at[dst_v], semS).wait()
    plsc.subcore_barrier()
    w0 = s * WRITE_PER_TILE
    pltpu.sync_copy(acc.at[pl.ds(w0, WRITE_PER_TILE)],
                    out.at[c, pl.ds(w0, WRITE_PER_TILE)])

    @pl.when(s == 0)
    def _():
        t0 = NS * WRITE_PER_TILE
        pltpu.sync_copy(acc.at[pl.ds(t0, WRITE_TAIL)],
                        out.at[c, pl.ds(t0, WRITE_TAIL)])


@functools.partial(
    pl.kernel,
    out_type=jax.ShapeDtypeStruct((NC, N_NODES, D), jnp.float32),
    mesh=plsc.VectorSubcoreMesh(core_axis_name="c", subcore_axis_name="s"),
    scratch_types=[
        pltpu.VMEM((CHUNK,), jnp.int32),
        pltpu.VMEM((CHUNK,), jnp.int32),
        pltpu.VMEM((CHUNK, D), jnp.float32),
        pltpu.VMEM_SHARED((ACC_ROWS, D), jnp.float32),
        pltpu.SemaphoreType.DMA,
        pltpu.SemaphoreType.DMA,
    ],
)
def _message_passing(h, zeros, src, dst, out, src_v, dst_v, rows_v, acc,
                     sem, semS):
    _mp_body(h, zeros, src, dst, out, src_v, dst_v, rows_v, acc, sem, semS)


def _combine_body(p_ref, out_ref):
    out_ref[...] = p_ref[0] + p_ref[1]


def _combine(p):
    rb = 1000
    return pl.pallas_call(
        _combine_body,
        grid=(N_NODES // rb,),
        in_specs=[pl.BlockSpec((NC, rb, D), lambda i: (0, i, 0))],
        out_specs=pl.BlockSpec((rb, D), lambda i: (i, 0)),
        out_shape=jax.ShapeDtypeStruct((N_NODES, D), jnp.float32),
    )(p)


@jax.jit
def kernel(feat, edge_index, W, b):
    h = _linear(feat, W, b)
    npad = EDGES_PAD - N_EDGES
    src = jnp.concatenate([edge_index[0], jnp.zeros((npad,), jnp.int32)])
    dst = jnp.concatenate([edge_index[1], jnp.full((npad,), N_NODES, jnp.int32)])
    zeros = jnp.zeros((ACC_ROWS, D), jnp.float32)
    return _combine(_message_passing(h, zeros, src, dst))

# --- scband reference (transcript-rebuilt; emitter-appended) ---
"""Pipeline reference for scband-gnnlayer-16707422781845 (READ-ONLY COPY).

The authoritative reference and input builder live on the scoring server;
editing this copy changes nothing except your own understanding.
"""

import jax, jax.numpy as jnp
import numpy as np

N_NODES = 10000
N_EDGES = 320000
D_IN = 128
D_OUT = 128


def setup_inputs(seed: int = 0) -> dict:
    key = jax.random.key(seed)
    k1, k2, k3 = jax.random.split(key, 3)
    feat = jax.random.normal(k1, (N_NODES, D_IN), dtype=jnp.float32)
    edge_index = jax.random.randint(k2, (2, N_EDGES), 0, N_NODES, dtype=jnp.int32)
    # Learned params of nn.Linear(in_dim, out_dim): weight init N(0, 0.1), bias zeros
    W = jax.random.normal(k3, (D_OUT, D_IN), dtype=jnp.float32) * 0.1
    b = jnp.zeros((D_OUT,), dtype=jnp.float32)
    return {"feat": feat, "edge_index": edge_index, "W": W, "b": b}


def reference(feat, edge_index, W, b):
    # h = Linear(feat)
    h = feat @ W.T + b
    # DGL update_all(copy_u('h','m'), sum('m','h')):
    # for each edge (src, dst), message = h[src]; dst node sums incoming messages.
    src = edge_index[0]
    dst = edge_index[1]
    msgs = jnp.take(h, src, axis=0)
    out = jax.ops.segment_sum(msgs, dst, num_segments=N_NODES)
    return out

if __name__ == "__main__":
    import jax
    _d = setup_inputs()
    print(jax.jit(kernel)(*tuple(_d.values())))

</pallas_src>

<mosaic_0001>
#map = affine_map<(d0, d1) -> (0, 0)>
#map1 = affine_map<(d0, d1) -> (0)>
#map2 = affine_map<(d0, d1) -> (0, 0, 0)>
module attributes {stable_mosaic.version = 14 : i64} {
  func.func @_message_passing(%arg0: i32, %arg1: i32, %arg2: memref<10000x128xf32, #tpu.memory_space<hbm>>, %arg3: memref<10240x128xf32, #tpu.memory_space<hbm>>, %arg4: memref<323584xi32, #tpu.memory_space<hbm>>, %arg5: memref<323584xi32, #tpu.memory_space<hbm>>, %arg6: memref<2x10000x128xf32, #tpu.memory_space<hbm>>, %arg7: memref<128xi32, #tpu.memory_space<vmem>>, %arg8: memref<128xi32, #tpu.memory_space<vmem>>, %arg9: memref<128x128xf32, #tpu.memory_space<vmem>>, %arg10: memref<10240x128xf32, #tpu.memory_space<vmem_shared>>, %arg11: memref<!tpu.dma_semaphore, #tpu.memory_space<semaphore_mem>>, %arg12: memref<!tpu.dma_semaphore, #tpu.memory_space<semaphore_mem>>) attributes {dimension_semantics = [#tpu.dimension_semantics<core_parallel>, #tpu.dimension_semantics<subcore_parallel>], iteration_bounds = array<i64: 2, 16>, scalar_prefetch = 0 : i64, scratch_operands = 6 : i64, tpu.core_type = #tpu.core_type<sc_vector_subcore>, window_params = [{transform_indices = #map}, {transform_indices = #map}, {transform_indices = #map1}, {transform_indices = #map1}, {transform_indices = #map2}]} {
    %mul3A = arith.constant 640 : i32
    %mul3A_0 = arith.muli %arg1, %mul3A : i32
    "tpu.region"() ({
      %run_scoped3A = tpu.sem_alloc : memref<!tpu.dma_semaphore, #tpu.memory_space<semaphore_mem>>
      %dma_start3A_18 = arith.constant 0 : i32
      %dma_start3A_19 = tpu.memref_slice %arg10[%mul3A_0, %dma_start3A_18] : memref<10240x128xf32, #tpu.memory_space<vmem_shared>> -> memref<640x128xf32, #tpu.memory_space<vmem_shared>>
      %dma_start3A_20 = arith.constant 0 : i32
      %dma_start3A_21 = tpu.memref_slice %arg3[%mul3A_0, %dma_start3A_20] : memref<10240x128xf32, #tpu.memory_space<hbm>> -> memref<640x128xf32, #tpu.memory_space<hbm>>
      tpu.enqueue_dma source(%dma_start3A_21 : memref<640x128xf32, #tpu.memory_space<hbm>>) target(%dma_start3A_19 : memref<640x128xf32, #tpu.memory_space<vmem_shared>>) target_semaphore(%run_scoped3A : memref<!tpu.dma_semaphore, #tpu.memory_space<semaphore_mem>>)
      %dma_wait3A_22 = arith.constant 0 : i32
      %dma_wait3A_23 = tpu.memref_slice %arg10[%mul3A_0, %dma_wait3A_22] : memref<10240x128xf32, #tpu.memory_space<vmem_shared>> -> memref<640x128xf32, #tpu.memory_space<vmem_shared>>
      %dma_wait3A_24 = arith.constant 0 : i32
      %dma_wait3A_25 = tpu.memref_slice %arg3[%mul3A_0, %dma_wait3A_24] : memref<10240x128xf32, #tpu.memory_space<hbm>> -> memref<640x128xf32, #tpu.memory_space<hbm>>
      tpu.wait_dma2 semaphore(%run_scoped3A : memref<!tpu.dma_semaphore, #tpu.memory_space<semaphore_mem>>) src(%dma_wait3A_25 : memref<640x128xf32, #tpu.memory_space<hbm>>) dst(%dma_wait3A_23 : memref<640x128xf32, #tpu.memory_space<vmem_shared>>)
      tpu.yield
    }) : () -> ()
    %barrier3A = arith.constant 0 : index
    tpu.barrier barrier_id(%barrier3A)
    %mul3A_1 = arith.constant 16 : i32
    %mul3A_2 = arith.muli %arg0, %mul3A_1 : i32
    %add3A = arith.addi %mul3A_2, %arg1 : i32
    %mul3A_3 = arith.constant 10112 : i32
    %mul3A_4 = arith.muli %add3A, %mul3A_3 : i32
    "tpu.region"() ({
      %run_scoped3A = tpu.sem_alloc : memref<!tpu.dma_semaphore, #tpu.memory_space<semaphore_mem>>
      %dma_start3A_18 = tpu.memref_slice %arg5[%mul3A_4] : memref<323584xi32, #tpu.memory_space<hbm>> -> memref<128xi32, #tpu.memory_space<hbm>>
      %dma_start3A_19 = tpu.memref_slice %arg5[%mul3A_4] : memref<323584xi32, #tpu.memory_space<hbm>> -> memref<128xi32, #tpu.memory_space<hbm>>
      tpu.enqueue_dma source(%dma_start3A_19 : memref<128xi32, #tpu.memory_space<hbm>>) target(%arg8 : memref<128xi32, #tpu.memory_space<vmem>>) target_semaphore(%run_scoped3A : memref<!tpu.dma_semaphore, #tpu.memory_space<semaphore_mem>>)
      %dma_wait3A_20 = tpu.memref_slice %arg5[%mul3A_4] : memref<323584xi32, #tpu.memory_space<hbm>> -> memref<128xi32, #tpu.memory_space<hbm>>
      %dma_wait3A_21 = tpu.memref_slice %arg5[%mul3A_4] : memref<323584xi32, #tpu.memory_space<hbm>> -> memref<128xi32, #tpu.memory_space<hbm>>
      tpu.wait_dma2 semaphore(%run_scoped3A : memref<!tpu.dma_semaphore, #tpu.memory_space<semaphore_mem>>) src(%dma_wait3A_21 : memref<128xi32, #tpu.memory_space<hbm>>) dst(%arg8 : memref<128xi32, #tpu.memory_space<vmem>>)
      tpu.yield
    }) : () -> ()
    "tpu.region"() ({
      %run_scoped3A = tpu.sem_alloc : memref<!tpu.dma_semaphore, #tpu.memory_space<semaphore_mem>>
      %dma_start3A_18 = arith.constant 0 : i32
      %dma_start3A_19 = arith.constant 0 : i32
      %dma_start3A_20 = tpu.memref_slice %arg3[%dma_start3A_18, %dma_start3A_19] : memref<10240x128xf32, #tpu.memory_space<hbm>> -> memref<128x128xf32, #tpu.memory_space<hbm>>
      %dma_start3A_21 = arith.constant 0 : i32
      %dma_start3A_22 = arith.constant 0 : i32
      %dma_start3A_23 = tpu.memref_slice %arg3[%dma_start3A_21, %dma_start3A_22] : memref<10240x128xf32, #tpu.memory_space<hbm>> -> memref<128x128xf32, #tpu.memory_space<hbm>>
      tpu.enqueue_dma source(%dma_start3A_23 : memref<128x128xf32, #tpu.memory_space<hbm>>) target(%arg9 : memref<128x128xf32, #tpu.memory_space<vmem>>) target_semaphore(%run_scoped3A : memref<!tpu.dma_semaphore, #tpu.memory_space<semaphore_mem>>)
      %dma_wait3A_24 = arith.constant 0 : i32
      %dma_wait3A_25 = arith.constant 0 : i32
      %dma_wait3A_26 = tpu.memref_slice %arg3[%dma_wait3A_24, %dma_wait3A_25] : memref<10240x128xf32, #tpu.memory_space<hbm>> -> memref<128x128xf32, #tpu.memory_space<hbm>>
      %dma_wait3A_27 = arith.constant 0 : i32
      %dma_wait3A_28 = arith.constant 0 : i32
      %dma_wait3A_29 = tpu.memref_slice %arg3[%dma_wait3A_27, %dma_wait3A_28] : memref<10240x128xf32, #tpu.memory_space<hbm>> -> memref<128x128xf32, #tpu.memory_space<hbm>>
      tpu.wait_dma2 semaphore(%run_scoped3A : memref<!tpu.dma_semaphore, #tpu.memory_space<semaphore_mem>>) src(%dma_wait3A_29 : memref<128x128xf32, #tpu.memory_space<hbm>>) dst(%arg9 : memref<128x128xf32, #tpu.memory_space<vmem>>)
      tpu.yield
    }) : () -> ()
    %dma_start3A = arith.constant 0 : i32
    %dma_start3A_5 = arith.constant 0 : i32
    %dma_start3A_6 = tpu.memref_slice %arg10[%dma_start3A, %dma_start3A_5] : memref<10240x128xf32, #tpu.memory_space<vmem_shared>> -> memref<10240x128xf32, #tpu.memory_space<vmem_shared>>
    tpu.enqueue_indirect_dma source(%arg9 : memref<128x128xf32, #tpu.memory_space<vmem>>) target(%dma_start3A_6 : memref<10240x128xf32, #tpu.memory_space<vmem_shared>>) offsets(%arg8 : memref<128xi32, #tpu.memory_space<vmem>>) semaphore(%arg12 : memref<!tpu.dma_semaphore, #tpu.memory_space<semaphore_mem>>) {add = true}
    %scan3A = arith.constant 0 : i32
    %scan3A_7 = arith.constant 79 : i32
    %scan3A_8 = arith.addi %scan3A, %scan3A_7 : i32
    %scan3A_9 = arith.constant 1 : i32
    scf.for %scan3A_18 = %scan3A to %scan3A_8 step %scan3A_9  : i32 {
      %mul3A_19 = arith.constant 1 : i32
      %mul3A_20 = arith.muli %scan3A_18, %mul3A_19 : i32
      %add3A_21 = arith.constant 0 : i32
      %add3A_22 = arith.addi %add3A_21, %mul3A_20 : i32
      %mul3A_23 = arith.constant 128 : i32
      %mul3A_24 = arith.muli %add3A_22, %mul3A_23 : i32
      %add3A_25 = arith.addi %mul3A_4, %mul3A_24 : i32
      "tpu.region"() ({
        %run_scoped3A = tpu.sem_alloc : memref<!tpu.dma_semaphore, #tpu.memory_space<semaphore_mem>>
        %dma_start3A_38 = tpu.memref_slice %arg4[%add3A_25] : memref<323584xi32, #tpu.memory_space<hbm>> -> memref<128xi32, #tpu.memory_space<hbm>>
        %dma_start3A_39 = tpu.memref_slice %arg4[%add3A_25] : memref<323584xi32, #tpu.memory_space<hbm>> -> memref<128xi32, #tpu.memory_space<hbm>>
        tpu.enqueue_dma source(%dma_start3A_39 : memref<128xi32, #tpu.memory_space<hbm>>) target(%arg7 : memref<128xi32, #tpu.memory_space<vmem>>) target_semaphore(%run_scoped3A : memref<!tpu.dma_semaphore, #tpu.memory_space<semaphore_mem>>)
        %dma_wait3A_40 = tpu.memref_slice %arg4[%add3A_25] : memref<323584xi32, #tpu.memory_space<hbm>> -> memref<128xi32, #tpu.memory_space<hbm>>
        %dma_wait3A_41 = tpu.memref_slice %arg4[%add3A_25] : memref<323584xi32, #tpu.memory_space<hbm>> -> memref<128xi32, #tpu.memory_space<hbm>>
        tpu.wait_dma2 semaphore(%run_scoped3A : memref<!tpu.dma_semaphore, #tpu.memory_space<semaphore_mem>>) src(%dma_wait3A_41 : memref<128xi32, #tpu.memory_space<hbm>>) dst(%arg7 : memref<128xi32, #tpu.memory_space<vmem>>)
        tpu.yield
      }) : () -> ()
      %dma_wait3A_26 = arith.constant 0 : i32
      %dma_wait3A_27 = arith.constant 0 : i32
      %dma_wait3A_28 = tpu.memref_slice %arg10[%dma_wait3A_26, %dma_wait3A_27] : memref<10240x128xf32, #tpu.memory_space<vmem_shared>> -> memref<10240x128xf32, #tpu.memory_space<vmem_shared>>
      tpu.wait_indirect_dma semaphore(%arg12 : memref<!tpu.dma_semaphore, #tpu.memory_space<semaphore_mem>>) src(%arg9 : memref<128x128xf32, #tpu.memory_space<vmem>>) dst(%dma_wait3A_28 : memref<10240x128xf32, #tpu.memory_space<vmem_shared>>)
      %dma_start3A_29 = arith.constant 0 : i32
      %dma_start3A_30 = arith.constant 0 : i32
      %dma_start3A_31 = tpu.memref_slice %arg2[%dma_start3A_29, %dma_start3A_30] : memref<10000x128xf32, #tpu.memory_space<hbm>> -> memref<10000x128xf32, #tpu.memory_space<hbm>>
      tpu.enqueue_indirect_dma source(%dma_start3A_31 : memref<10000x128xf32, #tpu.memory_space<hbm>>) target(%arg9 : memref<128x128xf32, #tpu.memory_space<vmem>>) offsets(%arg7 : memref<128xi32, #tpu.memory_space<vmem>>) semaphore(%arg11 : memref<!tpu.dma_semaphore, #tpu.memory_space<semaphore_mem>>)
      "tpu.region"() ({
        %run_scoped3A = tpu.sem_alloc : memref<!tpu.dma_semaphore, #tpu.memory_space<semaphore_mem>>
        %dma_start3A_38 = tpu.memref_slice %arg5[%add3A_25] : memref<323584xi32, #tpu.memory_space<hbm>> -> memref<128xi32, #tpu.memory_space<hbm>>
        %dma_start3A_39 = tpu.memref_slice %arg5[%add3A_25] : memref<323584xi32, #tpu.memory_space<hbm>> -> memref<128xi32, #tpu.memory_space<hbm>>
        tpu.enqueue_dma source(%dma_start3A_39 : memref<128xi32, #tpu.memory_space<hbm>>) target(%arg8 : memref<128xi32, #tpu.memory_space<vmem>>) target_semaphore(%run_scoped3A : memref<!tpu.dma_semaphore, #tpu.memory_space<semaphore_mem>>)
        %dma_wait3A_40 = tpu.memref_slice %arg5[%add3A_25] : memref<323584xi32, #tpu.memory_space<hbm>> -> memref<128xi32, #tpu.memory_space<hbm>>
        %dma_wait3A_41 = tpu.memref_slice %arg5[%add3A_25] : memref<323584xi32, #tpu.memory_space<hbm>> -> memref<128xi32, #tpu.memory_space<hbm>>
        tpu.wait_dma2 semaphore(%run_scoped3A : memref<!tpu.dma_semaphore, #tpu.memory_space<semaphore_mem>>) src(%dma_wait3A_41 : memref<128xi32, #tpu.memory_space<hbm>>) dst(%arg8 : memref<128xi32, #tpu.memory_space<vmem>>)
        tpu.yield
      }) : () -> ()
      %dma_wait3A_32 = arith.constant 0 : i32
      %dma_wait3A_33 = arith.constant 0 : i32
      %dma_wait3A_34 = tpu.memref_slice %arg2[%dma_wait3A_32, %dma_wait3A_33] : memref<10000x128xf32, #tpu.memory_space<hbm>> -> memref<10000x128xf32, #tpu.memory_space<hbm>>
      tpu.wait_indirect_dma semaphore(%arg11 : memref<!tpu.dma_semaphore, #tpu.memory_space<semaphore_mem>>) src(%dma_wait3A_34 : memref<10000x128xf32, #tpu.memory_space<hbm>>) dst(%arg9 : memref<128x128xf32, #tpu.memory_space<vmem>>)
      %dma_start3A_35 = arith.constant 0 : i32
      %dma_start3A_36 = arith.constant 0 : i32
      %dma_start3A_37 = tpu.memref_slice %arg10[%dma_start3A_35, %dma_start3A_36] : memref<10240x128xf32, #tpu.memory_space<vmem_shared>> -> memref<10240x128xf32, #tpu.memory_space<vmem_shared>>
      tpu.enqueue_indirect_dma source(%arg9 : memref<128x128xf32, #tpu.memory_space<vmem>>) target(%dma_start3A_37 : memref<10240x128xf32, #tpu.memory_space<vmem_shared>>) offsets(%arg8 : memref<128xi32, #tpu.memory_space<vmem>>) semaphore(%arg12 : memref<!tpu.dma_semaphore, #tpu.memory_space<semaphore_mem>>) {add = true}
    }
    %scan3A_10 = arith.constant 79 : i32
    %dma_wait3A = arith.constant 0 : i32
    %dma_wait3A_11 = arith.constant 0 : i32
    %dma_wait3A_12 = tpu.memref_slice %arg10[%dma_wait3A, %dma_wait3A_11] : memref<10240x128xf32, #tpu.memory_space<vmem_shared>> -> memref<10240x128xf32, #tpu.memory_space<vmem_shared>>
    tpu.wait_indirect_dma semaphore(%arg12 : memref<!tpu.dma_semaphore, #tpu.memory_space<semaphore_mem>>) src(%arg9 : memref<128x128xf32, #tpu.memory_space<vmem>>) dst(%dma_wait3A_12 : memref<10240x128xf32, #tpu.memory_space<vmem_shared>>)
    %barrier3A_13 = arith.constant 0 : index
    tpu.barrier barrier_id(%barrier3A_13)
    %mul3A_14 = arith.constant 624 : i32
    %mul3A_15 = arith.muli %arg1, %mul3A_14 : i32
    "tpu.region"() ({
      %run_scoped3A = tpu.sem_alloc : memref<!tpu.dma_semaphore, #tpu.memory_space<semaphore_mem>>
      %dma_start3A_18 = arith.constant 0 : i32
      %dma_start3A_19 = tpu.memref_slice %arg6[%arg0, %mul3A_15, %dma_start3A_18] : memref<2x10000x128xf32, #tpu.memory_space<hbm>> -> memref<1x624x128xf32, #tpu.memory_space<hbm>>
      %dma_start3A_20 = tpu.memref_squeeze %dma_start3A_19 : memref<1x624x128xf32, #tpu.memory_space<hbm>> -> memref<624x128xf32, #tpu.memory_space<hbm>>
      %dma_start3A_21 = arith.constant 0 : i32
      %dma_start3A_22 = tpu.memref_slice %arg10[%mul3A_15, %dma_start3A_21] : memref<10240x128xf32, #tpu.memory_space<vmem_shared>> -> memref<624x128xf32, #tpu.memory_space<vmem_shared>>
      tpu.enqueue_dma source(%dma_start3A_22 : memref<624x128xf32, #tpu.memory_space<vmem_shared>>) target(%dma_start3A_20 : memref<624x128xf32, #tpu.memory_space<hbm>>) target_semaphore(%run_scoped3A : memref<!tpu.dma_semaphore, #tpu.memory_space<semaphore_mem>>)
      %dma_wait3A_23 = arith.constant 0 : i32
      %dma_wait3A_24 = tpu.memref_slice %arg6[%arg0, %mul3A_15, %dma_wait3A_23] : memref<2x10000x128xf32, #tpu.memory_space<hbm>> -> memref<1x624x128xf32, #tpu.memory_space<hbm>>
      %dma_wait3A_25 = tpu.memref_squeeze %dma_wait3A_24 : memref<1x624x128xf32, #tpu.memory_space<hbm>> -> memref<624x128xf32, #tpu.memory_space<hbm>>
      %dma_wait3A_26 = arith.constant 0 : i32
      %dma_wait3A_27 = tpu.memref_slice %arg10[%mul3A_15, %dma_wait3A_26] : memref<10240x128xf32, #tpu.memory_space<vmem_shared>> -> memref<624x128xf32, #tpu.memory_space<vmem_shared>>
      tpu.wait_dma2 semaphore(%run_scoped3A : memref<!tpu.dma_semaphore, #tpu.memory_space<semaphore_mem>>) src(%dma_wait3A_27 : memref<624x128xf32, #tpu.memory_space<vmem_shared>>) dst(%dma_wait3A_25 : memref<624x128xf32, #tpu.memory_space<hbm>>)
      tpu.yield
    }) : () -> ()
    %eq3A = arith.constant 0 : i32
    %eq3A_16 = arith.cmpi eq, %arg1, %eq3A : i32
    %convert_element_type3A = arith.extui %eq3A_16 : i1 to i32
    %cond3A = arith.constant 0 : i32
    %cond3A_17 = arith.cmpi ne, %convert_element_type3A, %cond3A : i32
    scf.if %cond3A_17 {
      "tpu.region"() ({
        %run_scoped3A = tpu.sem_alloc : memref<!tpu.dma_semaphore, #tpu.memory_space<semaphore_mem>>
        %dma_start3A_18 = arith.constant 9984 : i32
        %dma_start3A_19 = arith.constant 0 : i32
        %dma_start3A_20 = tpu.memref_slice %arg6[%arg0, %dma_start3A_18, %dma_start3A_19] : memref<2x10000x128xf32, #tpu.memory_space<hbm>> -> memref<1x16x128xf32, #tpu.memory_space<hbm>>
        %dma_start3A_21 = tpu.memref_squeeze %dma_start3A_20 : memref<1x16x128xf32, #tpu.memory_space<hbm>> -> memref<16x128xf32, #tpu.memory_space<hbm>>
        %dma_start3A_22 = arith.constant 9984 : i32
        %dma_start3A_23 = arith.constant 0 : i32
        %dma_start3A_24 = tpu.memref_slice %arg10[%dma_start3A_22, %dma_start3A_23] : memref<10240x128xf32, #tpu.memory_space<vmem_shared>> -> memref<16x128xf32, #tpu.memory_space<vmem_shared>>
        tpu.enqueue_dma source(%dma_start3A_24 : memref<16x128xf32, #tpu.memory_space<vmem_shared>>) target(%dma_start3A_21 : memref<16x128xf32, #tpu.memory_space<hbm>>) target_semaphore(%run_scoped3A : memref<!tpu.dma_semaphore, #tpu.memory_space<semaphore_mem>>)
        %dma_wait3A_25 = arith.constant 9984 : i32
        %dma_wait3A_26 = arith.constant 0 : i32
        %dma_wait3A_27 = tpu.memref_slice %arg6[%arg0, %dma_wait3A_25, %dma_wait3A_26] : memref<2x10000x128xf32, #tpu.memory_space<hbm>> -> memref<1x16x128xf32, #tpu.memory_space<hbm>>
        %dma_wait3A_28 = tpu.memref_squeeze %dma_wait3A_27 : memref<1x16x128xf32, #tpu.memory_space<hbm>> -> memref<16x128xf32, #tpu.memory_space<hbm>>
        %dma_wait3A_29 = arith.constant 9984 : i32
        %dma_wait3A_30 = arith.constant 0 : i32
        %dma_wait3A_31 = tpu.memref_slice %arg10[%dma_wait3A_29, %dma_wait3A_30] : memref<10240x128xf32, #tpu.memory_space<vmem_shared>> -> memref<16x128xf32, #tpu.memory_space<vmem_shared>>
        tpu.wait_dma2 semaphore(%run_scoped3A : memref<!tpu.dma_semaphore, #tpu.memory_space<semaphore_mem>>) src(%dma_wait3A_31 : memref<16x128xf32, #tpu.memory_space<vmem_shared>>) dst(%dma_wait3A_28 : memref<16x128xf32, #tpu.memory_space<hbm>>)
        tpu.yield
      }) : () -> ()
    } else {
    }
    return
  }
}

module attributes {stable_mosaic.version = 14 : i64} {
  func.func @_linear_body(%arg0: i32, %arg1: memref<1000x128xf32, #tpu.memory_space<vmem>>, %arg2: memref<128x128xf32, #tpu.memory_space<vmem>>, %arg3: memref<1x128xf32, #tpu.memory_space<vmem>>, %arg4: memref<1000x128xf32, #tpu.memory_space<vmem>>) attributes {dimension_semantics = [#tpu.dimension_semantics<arbitrary>], iteration_bounds = array<i64: 10>, scalar_prefetch = 0 : i64, scratch_operands = 0 : i64, tpu.core_type = #tpu.core_type<tc>, window_params = [{transform_indices = @transform_0, window_bounds = array<i64: 1000, 128>}, {pipeline_mode = #tpu.pipeline_mode<synchronous>, transform_indices = @transform_1, window_bounds = array<i64: 128, 128>}, {pipeline_mode = #tpu.pipeline_mode<synchronous>, transform_indices = @transform_2, window_bounds = array<i64: 1, 128>}, {transform_indices = @transform_3, window_bounds = array<i64: 1000, 128>}]} {
    %get3A = arith.constant 0 : index
    %get3A_0 = arith.constant 0 : index
    %get3A_1 = vector.load %arg1[%get3A, %get3A_0] : memref<1000x128xf32, #tpu.memory_space<vmem>>, vector<1000x128xf32>
    %get3A_2 = arith.constant 0 : index
    %get3A_3 = arith.constant 0 : index
    %get3A_4 = vector.load %arg2[%get3A_2, %get3A_3] : memref<128x128xf32, #tpu.memory_space<vmem>>, vector<128x128xf32>
    %dot_general3A = arith.constant dense<0.000000e+00> : vector<1000x128xf32>
    %dot_general3A_5 = tpu.matmul %get3A_1, %get3A_4, %dot_general3A {dimension_numbers = #tpu.dot_dimension_numbers<[1], [1], [0], [0], [0, 0, 1, 0], [], []>, transpose_lhs_hint = false} : vector<1000x128xf32>, vector<128x128xf32>, vector<1000x128xf32> -> vector<1000x128xf32>
    %get3A_6 = arith.constant 0 : index
    %get3A_7 = arith.constant 0 : index
    %get3A_8 = vector.load %arg3[%get3A_6, %get3A_7] : memref<1x128xf32, #tpu.memory_space<vmem>>, vector<1x128xf32>
    %add3A = vector.broadcast %get3A_8 : vector<1x128xf32> to vector<1000x128xf32>
    %add3A_9 = arith.addf %dot_general3A_5, %add3A : vector<1000x128xf32>
    %swap3A = arith.constant 0 : index
    %swap3A_10 = arith.constant 0 : index
    %swap3A_11 = vector.load %arg4[%swap3A, %swap3A_10] : memref<1000x128xf32, #tpu.memory_space<vmem>>, vector<1000x128xf32>
    tpu.vector_store %arg4[%swap3A, %swap3A_10], %add3A_9 {strides = array<i32>} : memref<1000x128xf32, #tpu.memory_space<vmem>>, vector<1000x128xf32>,
    return
  }
  func.func @transform_0(%arg0: i32) -> (i32, i32) {
    %c0_i32 = arith.constant 0 : i32
    %c0_i32_0 = arith.constant 0 : i32
    return %arg0, %c0_i32 : i32, i32
  }
  func.func @transform_1(%arg0: i32) -> (i32, i32) {
    %c0_i32 = arith.constant 0 : i32
    %c0_i32_0 = arith.constant 0 : i32
    %c0_i32_1 = arith.constant 0 : i32
    return %c0_i32, %c0_i32_0 : i32, i32
  }
  func.func @transform_2(%arg0: i32) -> (i32, i32) {
    %c0_i32 = arith.constant 0 : i32
    %c0_i32_0 = arith.constant 0 : i32
    %c0_i32_1 = arith.constant 0 : i32
    return %c0_i32, %c0_i32_0 : i32, i32
  }
  func.func @transform_3(%arg0: i32) -> (i32, i32) {
    %c0_i32 = arith.constant 0 : i32
    %c0_i32_0 = arith.constant 0 : i32
    return %arg0, %c0_i32 : i32, i32
  }
}

module attributes {stable_mosaic.version = 14 : i64} {
  func.func @_combine_body(%arg0: i32, %arg1: memref<2x1000x128xf32, #tpu.memory_space<vmem>>, %arg2: memref<1000x128xf32, #tpu.memory_space<vmem>>) attributes {dimension_semantics = [#tpu.dimension_semantics<arbitrary>], iteration_bounds = array<i64: 10>, scalar_prefetch = 0 : i64, scratch_operands = 0 : i64, tpu.core_type = #tpu.core_type<tc>, window_params = [{transform_indices = @transform_0, window_bounds = array<i64: 2, 1000, 128>}, {transform_indices = @transform_1, window_bounds = array<i64: 1000, 128>}]} {
    %get3A = arith.constant 0 : index
    %get3A_0 = arith.constant 0 : index
    %get3A_1 = arith.constant 0 : index
    %get3A_2 = vector.load %arg1[%get3A, %get3A_0, %get3A_1] : memref<2x1000x128xf32, #tpu.memory_space<vmem>>, vector<1x1000x128xf32>
    %get3A_3 = vector.shape_cast %get3A_2 : vector<1x1000x128xf32> to vector<1000x128xf32>
    %get3A_4 = arith.constant 1 : index
    %get3A_5 = arith.constant 0 : index
    %get3A_6 = arith.constant 0 : index
    %get3A_7 = vector.load %arg1[%get3A_4, %get3A_5, %get3A_6] : memref<2x1000x128xf32, #tpu.memory_space<vmem>>, vector<1x1000x128xf32>
    %get3A_8 = vector.shape_cast %get3A_7 : vector<1x1000x128xf32> to vector<1000x128xf32>
    %add3A = arith.addf %get3A_3, %get3A_8 : vector<1000x128xf32>
    %swap3A = arith.constant 0 : index
    %swap3A_9 = arith.constant 0 : index
    %swap3A_10 = vector.load %arg2[%swap3A, %swap3A_9] : memref<1000x128xf32, #tpu.memory_space<vmem>>, vector<1000x128xf32>
    tpu.vector_store %arg2[%swap3A, %swap3A_9], %add3A {strides = array<i32>} : memref<1000x128xf32, #tpu.memory_space<vmem>>, vector<1000x128xf32>,
    return
  }
  func.func @transform_0(%arg0: i32) -> (i32, i32, i32) {
    %c0_i32 = arith.constant 0 : i32
    %c0_i32_0 = arith.constant 0 : i32
    %c0_i32_1 = arith.constant 0 : i32
    return %c0_i32, %arg0, %c0_i32_0 : i32, i32, i32
  }
  func.func @transform_1(%arg0: i32) -> (i32, i32) {
    %c0_i32 = arith.constant 0 : i32
    %c0_i32_0 = arith.constant 0 : i32
    return %arg0, %c0_i32 : i32, i32
  }
}

</mosaic_0001>

<sc_bundles>
// kernel: kernel.5.cloned.1.call-start
scs
__scs_entry_jumppad:
0x0: {  	(pc) =	sbr.rel $0x88, $3  }
0x1: {  	(tag) =	ssettag $0x0;
	lr =	simm.s32 $0x1  }
0x2: {  	[smem:$0x3F9D] =	sst lr;
	_ =	strace $0xD0000000  }
0x3: {  	_ = 	snop  }
0x4: {  	_ = 	snop  }
0x5: {  	_ = 	snop  }
0x6: {  	_ = 	snop  }
0x7: {  	_ = 	snop  }
__scs_overlays_trampoline_lowered:
0x8: {  	[smem:$0x3FAC] =	sst s0  }
0x9: {  	[smem:$0x3FAD] =	sst s1  }
0xa: {  	[smem:$0x3FAE] =	sst s2  }
0xb: {  	[smem:$0x3FAF] =	sst s3  }
0xc: {  	[smem:$0x3FB0] =	sst s4  }
0xd: {  	[smem:$0x3FB1] =	sst s5  }
0xe: {  	[smem:$0x3FB2] =	sst s6  }
0xf: {  	[smem:$0x3FB3] =	sst s7  }
0x10: {  	[smem:$0x3FB4] =	sst s8  }
0x11: {  	[smem:$0x3FB5] =	sst s9;
	s0 =	simm.s32 @!p0 $0x0  }
0x12: {  	s1 =	sld [smem:$0x3F9B];
	s0 =	simm.s32 @p0 $0x1  }
0x13: {  	[smem:$0x3FB6] =	sst s0;
	s0 =	simm.s32 @!p1 $0x0  }
0x14: {  	s2 =	sld [smem:$0x3F9A];
	s0 =	simm.s32 @p1 $0x1  }
0x15: {  	[smem:$0x3FB7] =	sst s0;
	s0 =	simm.s32 @!p2 $0x0  }
0x16: {  	s3 =	sld [smem:$0x3FDB];
	s0 =	simm.s32 @p2 $0x1  }
0x17: {  	s4 =	simm.s32 $0x1BF5;
	[smem:$0x3FB9] =	sst s0  }
0x18: {  	s0 =	sld [smem:$0x3F9C];
	_ =	swait.ge [sflag:s4], $0x0  }
0x19: {  	s7 =	sld [smem:$0x3F9D]  }
0x1a: {  	s8 =	sadd.s32 $0xFFFFE003, lr  }
0x1b: {  	s9 =	sadd.s32 $0xFFFFFEF7, lr;
	s5 =	simm.s32 $0xFFFFFFFF;
	p2 =	slt.u32 s8, $0xFFFFF086  }
0x1c: {  	p1 =	slt.u32 s9, $0xF7A;
	s5 =	simm.s32 @!p2 $0x0  }
0x1d: {  	s5 =	simm.s32 @p1 $0x1;
	p0 =	seq.s32 s7, s2  }
0x1e: {  	s7 =	smul.u32 @!p0 $0xF7A, s2;
	p2 =	seq.s32 @!p0 s5, $0x0  }
0x1f: {  	s9 =	smul.u32 $0xF7A, s1;
	s8 =	simm.s32 @!p0 $0x1BF5;
	p2 =	por !p2, p0  }
0x20: {  	[sflag:s8] =	ssyncset.s32 @!p0 $0xFFFFF086;
	s6 =	sadd.s32 @!p0 s3, s7;
	s7 =	simm.s32 @!p0 $0x108  }
0x21: {  	s3 =	sadd.s32 s3, s9;
	s6 =	sadd.s32 @!p0 $0x88, s6;
	s7 =	simm.s32 @p2 $0x1082  }
0x22: {  	[simem:s7], [sflag:s8] =	dma.local @!p0 [hbm:s6], $0xF7A  }
0x23: {  	s9 =	sor.u32 $0xD0000000, s2;
	s6 =	simm.s32 $0x108;
	_ =	swait.ge @!p0 [sflag:s8], $0x0  }
0x24: {  	s3 =	sadd.s32 $0x88, s3;
	s6 =	simm.s32 @!p1 $0x1082;
	[sflag:s4] =	ssyncset.s32 $0xFFFFF086  }
0x25: {  	[simem:s6], [sflag:s4] =	dma.local [hbm:s3], $0xF7A  }
0x26: {  	[smem:$0x3F9D] =	sst s1;
	(tag) =	ssettag s2;
	_ =	strace s9  }
0x27: {  	s1 =	sld [smem:$0x3FAD]  }
0x28: {  	s2 =	sld [smem:$0x3FAE]  }
0x29: {  	s4 =	sld [smem:$0x3FB0]  }
0x2a: {  	p0 =	seq.s32 s5, $0x0;
	s5 =	sld [smem:$0x3FB1]  }
0x2b: {  	s6 =	sld [smem:$0x3FB2]  }
0x2c: {  	s7 =	sld [smem:$0x3FB3]  }
0x2d: {  	s3 =	simm.s32 $0x108;
	s8 =	sld [smem:$0x3FB4]  }
0x2e: {  	s3 =	simm.s32 @!p0 $0x1082;
	s9 =	sld [smem:$0x3FB5]  }
0x2f: {  	lr =	sadd.s32 s0, s3;
	s0 =	sld [smem:$0x3FAC]  }
0x30: {  	s3 =	sld [smem:$0x3FAF]  }
0x31: {  	[smem:$0x3FB8] =	sst s10  }
0x32: {  	s10 =	sld [smem:$0x3FB6];
	_ =	sdelay $0x3  }
0x33: {  	p0 =	seq.s32 s10, $0x1;
	s10 =	sld [smem:$0x3FB8];
	_ =	sdelay $0x3  }
0x34: {  	[smem:$0x3FB8] =	sst s10  }
0x35: {  	s10 =	sld [smem:$0x3FB7];
	_ =	sdelay $0x3  }
0x36: {  	p1 =	seq.s32 s10, $0x1;
	s10 =	sld [smem:$0x3FB8];
	_ =	sdelay $0x3  }
0x37: {  	[smem:$0x3FB8] =	sst s10  }
0x38: {  	s10 =	sld [smem:$0x3FB9]  }
0x39: {  	_ = 	snop;
	(pc) =	sbr.ind lr, $3  }
0x3a: {  	_ = 	snop  }
0x3b: {  	_ = 	snop  }
0x3c: {  	p2 =	seq.s32 s10, $0x1;
	s10 =	sld [smem:$0x3FB8]  }
0x3d: {  	_ =	shalt  }
0x3e: {  	_ =	shalt  }
0x3f: {  	_ =	shalt  }
0x40: {  	_ =	shalt  }
0x41: {  	_ =	shalt  }
0x42: {  	_ =	shalt  }
0x43: {  	_ =	shalt  }
0x44: {  	_ =	shalt  }
0x45: {  	_ =	shalt  }
0x46: {  	_ =	shalt  }
0x47: {  	_ =	shalt  }
0x48: {  	_ =	shalt  }
0x49: {  	_ =	shalt  }
0x4a: {  	_ =	shalt  }
0x4b: {  	_ =	shalt  }
0x4c: {  	_ =	shalt  }
0x4d: {  	_ =	shalt  }
0x4e: {  	_ =	shalt  }
0x4f: {  	_ =	shalt  }
0x50: {  	_ =	shalt  }
0x51: {  	_ =	shalt  }
0x52: {  	_ =	shalt  }
0x53: {  	_ =	shalt  }
0x54: {  	_ =	shalt  }
0x55: {  	_ =	shalt  }
0x56: {  	_ =	shalt  }
0x57: {  	_ =	shalt  }
0x58: {  	_ =	shalt  }
0x59: {  	_ =	shalt  }
0x5a: {  	_ =	shalt  }
0x5b: {  	_ =	shalt  }
0x5c: {  	_ =	shalt  }
0x5d: {  	_ =	shalt  }
0x5e: {  	_ =	shalt  }
0x5f: {  	_ =	shalt  }
0x60: {  	_ =	shalt  }
0x61: {  	_ =	shalt  }
0x62: {  	_ =	shalt  }
0x63: {  	_ =	shalt  }
0x64: {  	_ =	shalt  }
0x65: {  	_ =	shalt  }
0x66: {  	_ =	shalt  }
0x67: {  	_ =	shalt  }
0x68: {  	_ =	shalt  }
0x69: {  	_ =	shalt  }
0x6a: {  	_ =	shalt  }
0x6b: {  	_ =	shalt  }
0x6c: {  	_ =	shalt  }
0x6d: {  	_ =	shalt  }
0x6e: {  	_ =	shalt  }
0x6f: {  	_ =	shalt  }
0x70: {  	_ =	shalt  }
0x71: {  	_ =	shalt  }
0x72: {  	_ =	shalt  }
0x73: {  	_ =	shalt  }
0x74: {  	_ =	shalt  }
0x75: {  	_ =	shalt  }
0x76: {  	_ =	shalt  }
0x77: {  	_ =	shalt  }
0x78: {  	_ =	shalt  }
0x79: {  	_ =	shalt  }
0x7a: {  	_ =	shalt  }
0x7b: {  	_ =	shalt  }
0x7c: {  	_ =	shalt  }
0x7d: {  	_ =	shalt  }
0x7e: {  	_ =	shalt  }
0x7f: {  	_ =	shalt  }
0x80: {  	_ =	shalt  }
0x81: {  	_ =	shalt  }
0x82: {  	_ =	shalt  }
0x83: {  	_ =	shalt  }
0x84: {  	_ =	shalt  }
0x85: {  	_ =	shalt  }
0x86: {  	_ =	shalt  }
0x87: {  	_ =	shalt  }
.Lfunc_end0:
.L_simem_size_0:
called_computation_lowered:
.L_overlay_start_0:
0x88: {  	s2 =	sld [smem:$0x3FD9]  }
0x89: {  	s3 =	sld [smem:$0x3FFE];
	_ =	sdelay $0x1  }
0x8a: {  	s1 =	srdreg.scid  }
0x8b: {  	s0 =	sand.u32 $0x1, s1  }
0x8c: {  	s17 =	sshll.u32 s0, $0xA;
	s2 =	sadd.s32 s3, s2  }
0x8d: {  	s2 =	sadd.s32 s2, s17  }
0x8e: {  	[smem:$0x3FC4] =	sst s2  }
0x8f: {  	_ = 	snop  }
0x90: {  	s2 =	sld [smem:$0x3FD0];
	(tm) =	ssettm $0x1  }
0x91: {  	s18 =	sld [smem:$0x3FFB];
	_ =	sdelay $0x3  }
0x92: {  	_ =	strace s18  }
0x93: {  	s3 =	sld [smem:$0x3FFC];
	_ =	sdelay $0x3  }
0x94: {  	_ =	strace s3  }
0x95: {  	s3 =	sld [smem:$0x3FFD];
	_ =	sdelay $0x3  }
0x96: {  	_ =	strace s3  }
0x97: {  	_ =	strace $0x8FFFFFFF  }
0x98: {  	s19 =	sld [smem:$0x3FDB];
	_ =	sdelay $0x1  }
0x99: {  	s4 =	simm.s32 $_scs_section_size  }
0x9a: {  	s5 =	simm.s32 $_size__tile_overlayer_lowered;
	s6 =	simm.s32 $_tile_overlayer_lowered  }
0x9b: {  	s22 =	simm.s32 $0x1BFF;
	s21 =	sshll.u32 s6, $0x1;
	s3 =	sadd.s32 s4, s19  }
0x9c: {  	s7 =	simm.s32 $0x0;
	s20 =	sshll.u32 s5, $0x1;
	s5 =	sadd.s32 s21, s3  }
0x9d: {  	[timem:s7], [sflag:s22] =	dma.local [hbm:s5], s20  }
0x9e: {  	_ =	swait.ge [sflag:s22], s20  }
0x9f: {  	s4 =	ssub.s32 $0x0, s20;
	[sflag:s22] =	ssyncset.done $0x0  }
0xa0: {  	[sflag:s22] =	ssyncadd.s32 s4;
	_ =	sdelay $0x1  }
0xa1: {  	s23 =	simm.s32 $0x1B8B  }
0xa2: {  	_ =	swait.ge [sflag:s23], $0x1  }
0xa3: {  	[sflag:s23] =	ssyncset.done $0x0  }
0xa4: {  	s25 =	simm.s32 $0x1B8E;
	s24 =	sld [smem:$0x3FFE];
	[sflag:s23] =	ssyncadd.s32 $0xFFFFFFFF  }
0xa5: {  	s26 =	simm.s32 $execute0_lowered;
	[smem:$0x3FD2] =	sst s25  }
0xa6: {  	s5 =	sshll.u32 s26, $0x1;
	_ =	strace $0x80000046;
	[dreg:$0x1] =	wrdreg $0xFFFFFFFF  }
0xa7: {  	s28 =	simm.s32 $_size_execute0_lowered;
	s3 =	sadd.s32 s3, s5;
	[dreg:$0x0] =	wrdreg $0x0  }
0xa8: {  	s5 =	sshll.u32 s28, $0x1;
	[dreg:$0x2] =	wrdreg s3  }
0xa9: {  	[dreg:$0x3] =	wrdreg s5  }
0xaa: {  	[dreg:$0x4] =	wrdreg $0xC0  }
0xab: {  	_ =	task [dreg:s7], $0x5FFFF  }
0xac: {  	[dreg:$0x1] =	wrdreg $0xFFFFFFFF  }
0xad: {  	[dreg:$0x0] =	wrdreg $0x60  }
0xae: {  	[dreg:$0x2] =	wrdreg s2  }
0xaf: {  	[dreg:$0x3] =	wrdreg s24  }
0xb0: {  	[dreg:$0x4] =	wrdreg $0x41000  }
0xb1: {  	[dreg:$0x5] =	wrdreg $0x9  }
0xb2: {  	_ =	task.clear_ibuf [dreg:s7], $0x6FFFF;
	_ =	strace $0x90000046  }
0xb3: {  	s29 =	simm.s32 $0x9;
	_ =	strace $0x80000048  }
0xb4: {  	_ =	swait.ge [sflag:s29], $0x1  }
0xb5: {  	[sflag:s29] =	ssyncadd.s32 $0xFFFFFFFF  }
0xb6: {  	_ =	strace $0x90000048  }
0xb7: {  	_ =	sfence  }
0xb8: {  	s30 =	sld [smem:$0x0];
	_ =	sdelay $0x2  }
0xb9: {  	s31 =	sshll.u32 s1, $0xD;
	s1 =	sshrl.u32 s1, $0x2  }
0xba: {  	s3 =	sand.u32 $0x4000, s31;
	s1 =	sadd.s32 s1, s30  }
0xbb: {  	s0 =	sor.u32 s3, s0;
	s1 =	sshll.u32 s1, $0x11  }
0xbc: {  	s0 =	sor.u32 s1, s0  }
0xbd: {  	s0 =	sadd.s32 $0x8F2B, s0  }
0xbe: {  	[sflag:s0] =	ssyncadd.remote.s32 $0x1  }
0xbf: {  	_ =	sfence.sel $0xFFFF  }
0xc0: {  	[dreg:$0x0] =	wrdreg $0xFFFFFFFF;
	(pc) =	sbr.abs _section_cstart, $3  }
0xc1: {  	[dreg:$0x1] =	wrdreg $0xFFFFFFFF  }
0xc2: {  	_ =	task.clear_ibuf [dreg:s7], $0x2FFFF;
	_ =	strace $0x9FFFFFFF  }
0xc3: {  	(tm) =	ssettm $0x7FFFFFFF  }
tec
execute0_lowered:
.L_overlay_start_1:
0x0: {  	(tag) =	ssettag $0x1  }
0x1: {  	s1 =	srdreg.scid;
	s0 =	rddreg [dreg:$0x0]  }
0x2: {  	s19 =	stileid.u32;
	s6 =	rddreg [dreg:$0x1]  }
0x3: {  	s2 =	rddreg [dreg:$0x2];
	s3 =	simm.s32 $0x0;
	s7 =	smul.u32 $0x2780, s19  }
0x4: {  	s5 =	sand.u32 $0x1, s1;
	s1 =	rddreg [dreg:$0x3];
	s23 =	smul.u32 $0x50000, s19  }
0x5: {  	s18 =	simm.s32 $0x1;
	[smem:$0x7FF] =	sst s3;
	s10 =	smul.u32 $0x2800, s19  }
0x6: {  	s13 =	sadd.s32 $0x600, s6;
	s14 =	sadd.s32 $0x3C200, s6;
	s28 =	smul.u32 $0x13800, s19  }
0x7: {  	s29 =	sshll.u32 s19, $0x6;
	s31 =	smul.u32 $0x4E000, s19;
	s21 =	sadd.s32 $0x138000, s2  }
0x8: {  	p0 =	sne.s32 s19, $0x0;
	s4 =	smul.u32 $0x27800, s5;
	_ =	strace $0x80000047  }
0x9: {  	s8 =	sshll.u32 s5, $0x4;
	s9 =	ssub.s32 $0x2, s5;
	s26 =	smul.u32 $0x138800, s5  }
0xa: {  	s8 =	sor.u32 s19, s8;
	s24 =	sshrl.u32 s9, $0x1;
	s25 =	sshrl.u32 s23, $0x2  }
0xb: {  	s17 =	sshrl.u32 s31, $0x2;
	s4 =	sadd.s32 s7, s4;
	s8 =	smul.u32 $0x2780, s8  }
0xc: {  	s15 =	ssub.s32 s9, s24;
	s16 =	sadd.s32 s25, s2;
	s9 =	sshrl.u32 s26, $0x3  }
0xd: {  	s20 =	sadd.s32 s17, s2;
	s17 =	simm.s32 $0x2;
	s11 =	sshrl.u32 s4, $0x3  }
0xe: {  	s4 =	sadd.s32 $0x14200, s6;
	s9 =	sadd.s32 s14, s9;
	s19 =	sshrl.u32 s20, $0x3  }
0xf: {  	s20 =	sshrl.u32 @!p0 s21, $0x3;
	s21 =	simm.s32 $0x0;
	s12 =	sadd.s32 s11, s6  }
0x10: {  	s5 =	sadd.s32 s4, s10;
	s30 =	sshrl.u32 s8, $0x3;
	s6 =	sor.u32 $0x1C03, s29  }
0x11: {  	s10 =	sadd.s32 s28, s26;
	s9 =	sadd.s32 $0x27000, s9;
	s11 =	sadd.s32 s11, s13  }
0x12: {  	s7 =	sadd.s32 s13, s30;
	s10 =	sshrl.u32 s10, $0x3;
	s12 =	sadd.s32 $0xA400, s12  }
0x13: {  	s13 =	sshrl.u32 s16, $0x3;
	s16 =	simm.s32 $0x100;
	s8 =	sadd.s32 s14, s10  }
0x14: {  	s10 =	smax.u32 s15, $0x1;
	s14 =	simm.s32 $0x3;
	s15 =	simm.s32 $0x80  }
.LBB2_1:
0x15: {  	[spmem:s13], [sflag:s6] =	dma.local [hbm:s5], $0x2800  }
0x16: {  	_ =	swait.ge [sflag:s14], $0x2800  }
0x17: {  	[sflag:s14] =	ssyncset.done $0x0  }
0x18: {  	[sflag:s14] =	ssyncadd.s32 $0xFFFFD800  }
0x19: {  	[bflag:$0x0] =	sbarrier.arrive $0xFFFF  }
0x1a: {  	[tilespmem:s15], [sflag:$0x3] =	stream.linear.gather [hbm4b:s7+s3], $0x80, $0x38;
	[tilespmem:$0x18100] =	vst v63  }
0x1b: {  	_ =	swait.ge [sflag:s14], $0x80  }
0x1c: {  	[sflag:s14] =	ssyncset.done $0x0  }
0x1d: {  	[sflag:s14] =	ssyncadd.s32 $0xFFFFFF80  }
0x1e: {  	[tilespmem:s16], [sflag:$0x3] =	stream.linear.gather [hbm4b:s4+s3], $0x4000, $0x38;
	[tilespmem:$0x18100] =	vst v63  }
0x1f: {  	_ =	swait.ge [sflag:s14], $0x4000  }
0x20: {  	[sflag:s14] =	ssyncset.done $0x0  }
0x21: {  	[sflag:s14] =	ssyncadd.s32 $0xFFFFC000  }
0x22: {  	[spmem:s2] =	stream.indirect.scatter.add.f32 [tilespmem:s16], [sflag:$0x2], $0x80, s15, s15, $0xb8;
	[tilespmem:$0x18100] =	vst v63  }
0x23: {  	s22 =	sadd.s32 $0x0, s12  }
0x24: {  	[tilespmem:s3], [sflag:$0x3] =	stream.linear.gather [hbm4b:s22+s3], $0x80, $0x38;
	[tilespmem:$0x18100] =	vst v63  }
0x25: {  	_ =	swait.ge [sflag:s14], $0x80  }
0x26: {  	[sflag:s14] =	ssyncset.done $0x0  }
0x27: {  	[sflag:s14] =	ssyncadd.s32 $0xFFFFFF80  }
0x28: {  	_ =	swait.ge [sflag:s17], $0x4000  }
0x29: {  	[sflag:s17] =	ssyncset.done $0x0  }
0x2a: {  	[sflag:s17] =	ssyncadd.s32 $0xFFFFC000  }
0x2b: {  	[tilespmem:s16], [sflag:$0x1] =	stream.indirect.gather [hbm4b:s0+s15], $0x80, s3, s15, $0xb8;
	[tilespmem:$0x18100] =	vst v63  }
0x2c: {  	s31 =	sadd.s32 $0x0, s11  }
0x2d: {  	[tilespmem:s15], [sflag:$0x3] =	stream.linear.gather [hbm4b:s31+s3], $0x80, $0x38;
	[tilespmem:$0x18100] =	vst v63  }
0x2e: {  	_ =	swait.ge [sflag:s14], $0x80  }
0x2f: {  	[sflag:s14] =	ssyncset.done $0x0  }
0x30: {  	[sflag:s14] =	ssyncadd.s32 $0xFFFFFF80  }
0x31: {  	_ =	swait.ge [sflag:s18], $0x4000  }
0x32: {  	[sflag:s18] =	ssyncset.done $0x0  }
0x33: {  	s22 =	simm.s32 $0x10;
	[sflag:s18] =	ssyncadd.s32 $0xFFFFC000  }
.LBB2_2:
0x34: {  	[spmem:s2] =	stream.indirect.scatter.add.f32 [tilespmem:s16], [sflag:$0x2], $0x80, s15, s15, $0xb8;
	[tilespmem:$0x18100] =	vst v63  }
0x35: {  	s23 =	smov.u32 s22  }
0x36: {  	p1 =	sne.s32 s22, $0x4E0;
	s22 =	sadd.s32 $0x10, s22;
	s24 =	sadd.s32 s23, s12  }
0x37: {  	[tilespmem:s3], [sflag:$0x3] =	stream.linear.gather [hbm4b:s24+s3], $0x80, $0x38;
	[tilespmem:$0x18100] =	vst v63  }
0x38: {  	_ =	swait.ge [sflag:s14], $0x80  }
0x39: {  	[sflag:s14] =	ssyncset.done $0x0  }
0x3a: {  	[sflag:s14] =	ssyncadd.s32 $0xFFFFFF80  }
0x3b: {  	_ =	swait.ge [sflag:s17], $0x4000  }
0x3c: {  	[sflag:s17] =	ssyncset.done $0x0  }
0x3d: {  	[sflag:s17] =	ssyncadd.s32 $0xFFFFC000  }
0x3e: {  	[tilespmem:s16], [sflag:$0x1] =	stream.indirect.gather [hbm4b:s0+s15], $0x80, s3, s15, $0xb8;
	[tilespmem:$0x18100] =	vst v63  }
0x3f: {  	s23 =	sadd.s32 s23, s11  }
0x40: {  	[tilespmem:s15], [sflag:$0x3] =	stream.linear.gather [hbm4b:s23+s3], $0x80, $0x38;
	[tilespmem:$0x18100] =	vst v63  }
0x41: {  	_ =	swait.ge [sflag:s14], $0x80  }
.Ltmp0:
0x42: {  	[sflag:s14] =	ssyncset.done $0x0;
	(pc) =	sbr.rel @p1 .LBB2_2-.Ltmp0, $4  }
0x43: {  	[sflag:s14] =	ssyncadd.s32 $0xFFFFFF80  }
0x44: {  	_ =	swait.ge [sflag:s18], $0x4000  }
0x45: {  	[sflag:s18] =	ssyncset.done $0x0  }
0x46: {  	[sflag:s18] =	ssyncadd.s32 $0xFFFFC000  }
0x47: {  	[spmem:s2] =	stream.indirect.scatter.add.f32 [tilespmem:s16], [sflag:$0x2], $0x80, s15, s15, $0xb8;
	[tilespmem:$0x18100] =	vst v63  }
0x48: {  	_ =	swait.ge [sflag:s17], $0x4000  }
0x49: {  	[sflag:s17] =	ssyncset.done $0x0  }
0x4a: {  	[sflag:s17] =	ssyncadd.s32 $0xFFFFC000  }
0x4b: {  	[bflag:$0x0] =	sbarrier.arrive $0xFFFF  }
0x4c: {  	[hbm:s8], [sflag:s6] =	dma.local [spmem:s19], $0x2700  }
0x4d: {  	s21 =	sadd.s32 $0x1, s21;
	_ =	swait.ge [sflag:s14], $0x2700  }
0x4e: {  	p1 =	sne.s32 s21, s10;
	[sflag:s14] =	ssyncset.done $0x0  }
.Ltmp1:
0x4f: {  	s22 =	simm.s32 @!p0 $0x3;
	[sflag:s14] =	ssyncadd.s32 $0xFFFFD900;
	(pc) =	sbr.rel @p1 .LBB2_1-.Ltmp1, $4  }
0x50: {  	[hbm:s9], [sflag:s6] =	dma.local @!p0 [spmem:s20], $0x100  }
0x51: {  	_ =	swait.ge @!p0 [sflag:s22], $0x100  }
0x52: {  	[sflag:s22] =	ssyncset.done @!p0 $0x0  }
0x53: {  	[sflag:s22] =	ssyncadd.s32 @!p0 $0xFFFFFF00  }
0x54: {  	_ =	sfence.sel $0x180000  }
0x55: {  	[bflag:$0x0] =	sbarrier.arrive $0xFFFF  }
0x56: {  	_ =	strace $0x90000047  }
0x57: {  	s0 =	sadd.s32 @!p0 $0x100000, s1;
	[bflag:$0x2] =	sbarrier.arrive $0xFFFF  }
0x58: {  	[sflag:s0] =	ssyncadd.tile.s32 @!p0 $0x1;
	_ =	shalt  }
.Lfunc_end2:
_tile_overlayer_lowered:
.L_overlay_start_2:
0x59: {  	(tag) =	ssettag $0x2  }
0x5a: {  	s0 =	rddreg [dreg:$0x0];
	s2 =	stileid.u32  }
0x5b: {  	s1 =	rddreg [dreg:$0x1];
	p0 =	sne.s32 s2, $0x0  }
0x5c: {  	s3 =	rddreg [dreg:$0x2];
	[bflag:$0x3] =	sbarrier.arrive $0xFFFF;
	s2 =	simm.s32 @!p0 $0x1C03  }
0x5d: {  	[timem:s3], [sflag:s2] =	dma.local @!p0 [hbm:s0], s1  }
0x5e: {  	s0 =	simm.s32 @!p0 $0x3  }
0x5f: {  	_ =	swait.ge @!p0 [sflag:s0], s1  }
0x60: {  	s1 =	ssub.s32 @!p0 $0x0, s1;
	[sflag:s0] =	ssyncset.done @!p0 $0x0  }
0x61: {  	[sflag:s0] =	ssyncadd.s32 @!p0 s1  }
0x62: {  	[bflag:$0x3] =	sbarrier.arrive $0xFFFF  }
0x63: {  	_ =	shalt  }

</sc_bundles>
